<compile_context>
chip_gen: v7x
topology: tpu7x:2x2x1
jax: 0.10.2.dev20260603
libtpu: 0.0.44.dev20260713+nightly
codegen_flags: <defaults>
</compile_context>

<pallas_src>
import functools

import jax
import jax.numpy as jnp
from jax import lax
from jax.experimental import pallas as pl
from jax.experimental.pallas import tpu as pltpu
from jax.experimental.pallas import tpu_sc as plsc

VOCAB = 100000
DIM = 300
BC = 4096
NB = -(-VOCAB // BC)
NC = 2
NS = 16
NW = NC * NS
LANES = 16


def _bf16r(x):
    return x.astype(jnp.bfloat16).astype(jnp.float32)


def _score_body(gt_ref, ft_ref, wg_ref, bg_ref, wf_ref, bf_ref, s_ref):
    wg = jnp.sum(_bf16r(wg_ref[...]), axis=1)
    wf = jnp.sum(_bf16r(wf_ref[...]), axis=1)
    bias = jnp.sum(bg_ref[...]) + jnp.sum(bf_ref[...])
    z = (jnp.sum(_bf16r(gt_ref[...]) * wg[:, None], axis=0)
         + jnp.sum(_bf16r(ft_ref[...]) * wf[:, None], axis=0))
    s_ref[...] = z + bias


def _scores(glove_t, fast_t, W_glove, b_glove, W_fast, b_fast):
    s3d = pl.pallas_call(
        _score_body,
        grid=(NB,),
        in_specs=[
            pl.BlockSpec((DIM, BC), lambda i: (0, i)),
            pl.BlockSpec((DIM, BC), lambda i: (0, i)),
            pl.BlockSpec((DIM, 256), lambda i: (0, 0)),
            pl.BlockSpec((256,), lambda i: (0,)),
            pl.BlockSpec((DIM, 256), lambda i: (0, 0)),
            pl.BlockSpec((256,), lambda i: (0,)),
        ],
        out_specs=pl.BlockSpec((BC,), lambda i: (i,)),
        out_shape=jax.ShapeDtypeStruct((NB * BC,), jnp.float32),
    )(glove_t, fast_t, W_glove, b_glove, W_fast, b_fast)
    return s3d


def _gather_sum(word_flat, s_flat):
    per = word_flat.shape[0] // NW

    nvals = s_flat.shape[0]

    @functools.partial(
        pl.kernel,
        out_type=jax.ShapeDtypeStruct((NW, LANES), jnp.float32),
        mesh=plsc.VectorSubcoreMesh(core_axis_name="c", subcore_axis_name="s"),
        scratch_types=[
            pltpu.VMEM((per,), jnp.int32),
            pltpu.VMEM((per,), jnp.float32),
            pltpu.VMEM((LANES,), jnp.float32),
            pltpu.VMEM_SHARED((nvals,), jnp.float32),
            pltpu.SemaphoreType.DMA,
        ],
    )
    def k(word_hbm, s_hbm, out_hbm, idx_v, vals_v, acc_v, s_sh, sem):
        wid = lax.axis_index("s") * NC + lax.axis_index("c")
        base = wid * per
        pltpu.sync_copy(word_hbm.at[pl.ds(base, per)], idx_v)
        @pl.when(lax.axis_index("s") == 0)
        def _():
            pltpu.sync_copy(s_hbm, s_sh)
        plsc.subcore_barrier()
        pltpu.async_copy(s_sh.at[idx_v], vals_v, sem).wait()

        def body(i, acc):
            return acc + vals_v[pl.ds(i * LANES, LANES)]

        acc = lax.fori_loop(0, per // LANES, body,
                            jnp.zeros((LANES,), jnp.float32))
        acc_v[...] = acc
        pltpu.sync_copy(acc_v, out_hbm.at[wid])

    return k(word_flat, s_flat)


def kernel(word, glove_table, fast_table, W_glove, b_glove, W_fast, b_fast):
    s_flat = _scores(glove_table.T, fast_table.T,
                     W_glove, b_glove, W_fast, b_fast)
    word_flat = word.reshape(-1).astype(jnp.int32)
    partials = _gather_sum(word_flat, s_flat)
    return jnp.sum(partials)

# --- scband reference (transcript-rebuilt; emitter-appended) ---
"""Pipeline reference for scband-unweighted-dme-38062000177199 (READ-ONLY COPY).

The authoritative reference and input builder live on the scoring server;
editing this copy changes nothing except your own understanding.
"""

import jax, jax.numpy as jnp
import numpy as np

VOCAB = 100000
GLOVE_DIM = 300
FAST_TEXT_DIM = 300
EMBEDDING_PROJECTION = 256
BATCH = 4096
HIST = 50


def setup_inputs(seed: int = 0) -> dict:
    key = jax.random.key(seed)
    ks = jax.random.split(key, 7)
    word = jax.random.randint(ks[0], (BATCH, HIST), 0, VOCAB)
    glove_table = jax.random.normal(ks[1], (VOCAB, GLOVE_DIM), dtype=jnp.float32) * 0.02
    fast_table = jax.random.normal(ks[2], (VOCAB, FAST_TEXT_DIM), dtype=jnp.float32) * 0.02
    W_glove = jax.random.normal(ks[3], (GLOVE_DIM, EMBEDDING_PROJECTION), dtype=jnp.float32) * (1.0 / np.sqrt(GLOVE_DIM))
    b_glove = jnp.zeros((EMBEDDING_PROJECTION,), dtype=jnp.float32)
    W_fast = jax.random.normal(ks[4], (FAST_TEXT_DIM, EMBEDDING_PROJECTION), dtype=jnp.float32) * (1.0 / np.sqrt(FAST_TEXT_DIM))
    b_fast = jnp.zeros((EMBEDDING_PROJECTION,), dtype=jnp.float32)
    return {
        "word": word,
        "glove_table": glove_table,
        "fast_table": fast_table,
        "W_glove": W_glove,
        "b_glove": b_glove,
        "W_fast": W_fast,
        "b_fast": b_fast,
    }


def reference(word, glove_table, fast_table, W_glove, b_glove, W_fast, b_fast):
    # nn.Embedding lookups
    emb_glove = jnp.take(glove_table, word, axis=0)          # [B, L, 300]
    emb_fast_text = jnp.take(fast_table, word, axis=0)       # [B, L, 300]
    # Linear projections
    out_glove = emb_glove @ W_glove + b_glove                # [B, L, 256]
    out_fast_text = emb_fast_text @ W_fast + b_fast          # [B, L, 256]
    # torch.stack + torch.sum (sums ALL elements -> scalar, faithful to original)
    stacked = jnp.stack([out_glove, out_fast_text])          # [2, B, L, 256]
    output = jnp.sum(stacked)
    return output

if __name__ == "__main__":
    import jax
    _d = setup_inputs()
    print(jax.jit(kernel)(*tuple(_d.values())))

</pallas_src>

<mosaic_0001>
#map = affine_map<(d0, d1) -> (0)>
#map1 = affine_map<(d0, d1) -> (0, 0)>
module attributes {stable_mosaic.version = 14 : i64} {
  func.func @k(%arg0: i32, %arg1: i32, %arg2: memref<204800xi32, #tpu.memory_space<hbm>>, %arg3: memref<102400xf32, #tpu.memory_space<hbm>>, %arg4: memref<32x16xf32, #tpu.memory_space<hbm>>, %arg5: memref<6400xi32, #tpu.memory_space<vmem>>, %arg6: memref<6400xf32, #tpu.memory_space<vmem>>, %arg7: memref<16xf32, #tpu.memory_space<vmem>>, %arg8: memref<102400xf32, #tpu.memory_space<vmem_shared>>, %arg9: memref<!tpu.dma_semaphore, #tpu.memory_space<semaphore_mem>>) attributes {dimension_semantics = [#tpu.dimension_semantics<core_parallel>, #tpu.dimension_semantics<subcore_parallel>], iteration_bounds = array<i64: 2, 16>, scalar_prefetch = 0 : i64, scratch_operands = 5 : i64, tpu.core_type = #tpu.core_type<sc_vector_subcore>, window_params = [{transform_indices = #map}, {transform_indices = #map}, {transform_indices = #map1}]} {
    %mul3A = arith.constant 2 : i32
    %mul3A_0 = arith.muli %arg1, %mul3A : i32
    %add3A = arith.addi %mul3A_0, %arg0 : i32
    %mul3A_1 = arith.constant 6400 : i32
    %mul3A_2 = arith.muli %add3A, %mul3A_1 : i32
    "tpu.region"() ({
      %run_scoped3A = tpu.sem_alloc : memref<!tpu.dma_semaphore, #tpu.memory_space<semaphore_mem>>
      %dma_start3A_16 = tpu.memref_slice %arg2[%mul3A_2] : memref<204800xi32, #tpu.memory_space<hbm>> -> memref<6400xi32, #tpu.memory_space<hbm>>
      %dma_start3A_17 = tpu.memref_slice %arg2[%mul3A_2] : memref<204800xi32, #tpu.memory_space<hbm>> -> memref<6400xi32, #tpu.memory_space<hbm>>
      tpu.enqueue_dma source(%dma_start3A_17 : memref<6400xi32, #tpu.memory_space<hbm>>) target(%arg5 : memref<6400xi32, #tpu.memory_space<vmem>>) target_semaphore(%run_scoped3A : memref<!tpu.dma_semaphore, #tpu.memory_space<semaphore_mem>>)
      %dma_wait3A_18 = tpu.memref_slice %arg2[%mul3A_2] : memref<204800xi32, #tpu.memory_space<hbm>> -> memref<6400xi32, #tpu.memory_space<hbm>>
      %dma_wait3A_19 = tpu.memref_slice %arg2[%mul3A_2] : memref<204800xi32, #tpu.memory_space<hbm>> -> memref<6400xi32, #tpu.memory_space<hbm>>
      tpu.wait_dma2 semaphore(%run_scoped3A : memref<!tpu.dma_semaphore, #tpu.memory_space<semaphore_mem>>) src(%dma_wait3A_19 : memref<6400xi32, #tpu.memory_space<hbm>>) dst(%arg5 : memref<6400xi32, #tpu.memory_space<vmem>>)
      tpu.yield
    }) : () -> ()
    %eq3A = arith.constant 0 : i32
    %eq3A_3 = arith.cmpi eq, %arg1, %eq3A : i32
    %convert_element_type3A = arith.extui %eq3A_3 : i1 to i32
    %cond3A = arith.constant 0 : i32
    %cond3A_4 = arith.cmpi ne, %convert_element_type3A, %cond3A : i32
    scf.if %cond3A_4 {
      "tpu.region"() ({
        %run_scoped3A = tpu.sem_alloc : memref<!tpu.dma_semaphore, #tpu.memory_space<semaphore_mem>>
        tpu.enqueue_dma source(%arg3 : memref<102400xf32, #tpu.memory_space<hbm>>) target(%arg8 : memref<102400xf32, #tpu.memory_space<vmem_shared>>) target_semaphore(%run_scoped3A : memref<!tpu.dma_semaphore, #tpu.memory_space<semaphore_mem>>)
        tpu.wait_dma2 semaphore(%run_scoped3A : memref<!tpu.dma_semaphore, #tpu.memory_space<semaphore_mem>>) src(%arg3 : memref<102400xf32, #tpu.memory_space<hbm>>) dst(%arg8 : memref<102400xf32, #tpu.memory_space<vmem_shared>>)
        tpu.yield
      }) : () -> ()
    } else {
    }
    %barrier3A = arith.constant 0 : index
    tpu.barrier barrier_id(%barrier3A)
    %dma_start3A = arith.constant 0 : i32
    %dma_start3A_5 = tpu.memref_slice %arg8[%dma_start3A] : memref<102400xf32, #tpu.memory_space<vmem_shared>> -> memref<102400xf32, #tpu.memory_space<vmem_shared>>
    tpu.enqueue_indirect_dma source(%dma_start3A_5 : memref<102400xf32, #tpu.memory_space<vmem_shared>>) target(%arg6 : memref<6400xf32, #tpu.memory_space<vmem>>) offsets(%arg5 : memref<6400xi32, #tpu.memory_space<vmem>>) semaphore(%arg9 : memref<!tpu.dma_semaphore, #tpu.memory_space<semaphore_mem>>)
    %dma_wait3A = arith.constant 0 : i32
    %dma_wait3A_6 = tpu.memref_slice %arg8[%dma_wait3A] : memref<102400xf32, #tpu.memory_space<vmem_shared>> -> memref<102400xf32, #tpu.memory_space<vmem_shared>>
    tpu.wait_indirect_dma semaphore(%arg9 : memref<!tpu.dma_semaphore, #tpu.memory_space<semaphore_mem>>) src(%dma_wait3A_6 : memref<102400xf32, #tpu.memory_space<vmem_shared>>) dst(%arg6 : memref<6400xf32, #tpu.memory_space<vmem>>)
    %broadcast_in_dim3A = arith.constant 0.000000e+00 : f32
    %broadcast_in_dim3A_7 = vector.broadcast %broadcast_in_dim3A : f32 to vector<16xf32>
    %scan3A = arith.constant 0 : i32
    %scan3A_8 = arith.constant 400 : i32
    %scan3A_9 = arith.addi %scan3A, %scan3A_8 : i32
    %scan3A_10 = arith.constant 1 : i32
    %scan3A_11 = scf.for %scan3A_16 = %scan3A to %scan3A_9 step %scan3A_10 iter_args(%scan3A_17 = %broadcast_in_dim3A_7) -> (vector<16xf32>)  : i32 {
      %mul3A_18 = arith.constant 16 : i32
      %mul3A_19 = arith.muli %scan3A_16, %mul3A_18 : i32
      %get3A = arith.index_cast %mul3A_19 : i32 to index
      %get3A_20 = tpu.vector_load %arg6[%get3A] {strides = array<i32>} : memref<6400xf32, #tpu.memory_space<vmem>>, vector<16xf32>,
      %get3A_21 = vector.shape_cast %get3A_20 : vector<16xf32> to vector<16xf32>
      %add3A_22 = arith.addf %scan3A_17, %get3A_21 : vector<16xf32>
      scf.yield %add3A_22 : vector<16xf32>
    }
    %scan3A_12 = arith.constant 400 : i32
    %swap3A = arith.constant 0 : index
    %swap3A_13 = tpu.vector_load %arg7[%swap3A] {strides = array<i32>} : memref<16xf32, #tpu.memory_space<vmem>>, vector<16xf32>,
    %swap3A_14 = vector.shape_cast %swap3A_13 : vector<16xf32> to vector<16xf32>
    %swap3A_15 = vector.shape_cast %scan3A_11 : vector<16xf32> to vector<16xf32>
    tpu.vector_store %arg7[%swap3A], %swap3A_15 {strides = array<i32>} : memref<16xf32, #tpu.memory_space<vmem>>, vector<16xf32>,
    "tpu.region"() ({
      %run_scoped3A = tpu.sem_alloc : memref<!tpu.dma_semaphore, #tpu.memory_space<semaphore_mem>>
      %dma_start3A_16 = arith.constant 0 : i32
      %dma_start3A_17 = tpu.memref_slice %arg4[%add3A, %dma_start3A_16] : memref<32x16xf32, #tpu.memory_space<hbm>> -> memref<1x16xf32, #tpu.memory_space<hbm>>
      %dma_start3A_18 = tpu.memref_squeeze %dma_start3A_17 : memref<1x16xf32, #tpu.memory_space<hbm>> -> memref<16xf32, #tpu.memory_space<hbm>>
      %dma_start3A_19 = arith.constant 0 : i32
      %dma_start3A_20 = tpu.memref_slice %arg4[%add3A, %dma_start3A_19] : memref<32x16xf32, #tpu.memory_space<hbm>> -> memref<1x16xf32, #tpu.memory_space<hbm>>
      %dma_start3A_21 = tpu.memref_squeeze %dma_start3A_20 : memref<1x16xf32, #tpu.memory_space<hbm>> -> memref<16xf32, #tpu.memory_space<hbm>>
      tpu.enqueue_dma source(%arg7 : memref<16xf32, #tpu.memory_space<vmem>>) target(%dma_start3A_21 : memref<16xf32, #tpu.memory_space<hbm>>) target_semaphore(%run_scoped3A : memref<!tpu.dma_semaphore, #tpu.memory_space<semaphore_mem>>)
      %dma_wait3A_22 = arith.constant 0 : i32
      %dma_wait3A_23 = tpu.memref_slice %arg4[%add3A, %dma_wait3A_22] : memref<32x16xf32, #tpu.memory_space<hbm>> -> memref<1x16xf32, #tpu.memory_space<hbm>>
      %dma_wait3A_24 = tpu.memref_squeeze %dma_wait3A_23 : memref<1x16xf32, #tpu.memory_space<hbm>> -> memref<16xf32, #tpu.memory_space<hbm>>
      %dma_wait3A_25 = arith.constant 0 : i32
      %dma_wait3A_26 = tpu.memref_slice %arg4[%add3A, %dma_wait3A_25] : memref<32x16xf32, #tpu.memory_space<hbm>> -> memref<1x16xf32, #tpu.memory_space<hbm>>
      %dma_wait3A_27 = tpu.memref_squeeze %dma_wait3A_26 : memref<1x16xf32, #tpu.memory_space<hbm>> -> memref<16xf32, #tpu.memory_space<hbm>>
      tpu.wait_dma2 semaphore(%run_scoped3A : memref<!tpu.dma_semaphore, #tpu.memory_space<semaphore_mem>>) src(%arg7 : memref<16xf32, #tpu.memory_space<vmem>>) dst(%dma_wait3A_27 : memref<16xf32, #tpu.memory_space<hbm>>)
      tpu.yield
    }) : () -> ()
    return
  }
}

module attributes {stable_mosaic.version = 14 : i64} {
  func.func @_score_body(%arg0: i32, %arg1: memref<300x4096xf32, #tpu.memory_space<vmem>>, %arg2: memref<300x4096xf32, #tpu.memory_space<vmem>>, %arg3: memref<300x256xf32, #tpu.memory_space<vmem>>, %arg4: memref<256xf32, #tpu.memory_space<vmem>>, %arg5: memref<300x256xf32, #tpu.memory_space<vmem>>, %arg6: memref<256xf32, #tpu.memory_space<vmem>>, %arg7: memref<4096xf32, #tpu.memory_space<vmem>>) attributes {dimension_semantics = [#tpu.dimension_semantics<arbitrary>], iteration_bounds = array<i64: 25>, scalar_prefetch = 0 : i64, scratch_operands = 0 : i64, tpu.core_type = #tpu.core_type<tc>, window_params = [{transform_indices = @transform_0, window_bounds = array<i64: 300, 4096>}, {transform_indices = @transform_1, window_bounds = array<i64: 300, 4096>}, {pipeline_mode = #tpu.pipeline_mode<synchronous>, transform_indices = @transform_2, window_bounds = array<i64: 300, 256>}, {pipeline_mode = #tpu.pipeline_mode<synchronous>, transform_indices = @transform_3, window_bounds = array<i64: 256>}, {pipeline_mode = #tpu.pipeline_mode<synchronous>, transform_indices = @transform_4, window_bounds = array<i64: 300, 256>}, {pipeline_mode = #tpu.pipeline_mode<synchronous>, transform_indices = @transform_5, window_bounds = array<i64: 256>}, {transform_indices = @transform_6, window_bounds = array<i64: 4096>}]} {
    %get3A = arith.constant 0 : index
    %get3A_0 = arith.constant 0 : index
    %get3A_1 = vector.load %arg3[%get3A, %get3A_0] : memref<300x256xf32, #tpu.memory_space<vmem>>, vector<300x256xf32>
    %convert_element_type3A = arith.truncf %get3A_1 : vector<300x256xf32> to vector<300x256xbf16>
    %convert_element_type3A_2 = arith.extf %convert_element_type3A : vector<300x256xbf16> to vector<300x256xf32>
    %reduce_sum3A = arith.constant dense<0.000000e+00> : vector<300xf32>
    %reduce_sum3A_3 = vector.multi_reduction <add>, %convert_element_type3A_2, %reduce_sum3A [1] : vector<300x256xf32> to vector<300xf32>
    %get3A_4 = arith.constant 0 : index
    %get3A_5 = arith.constant 0 : index
    %get3A_6 = vector.load %arg5[%get3A_4, %get3A_5] : memref<300x256xf32, #tpu.memory_space<vmem>>, vector<300x256xf32>
    %convert_element_type3A_7 = arith.truncf %get3A_6 : vector<300x256xf32> to vector<300x256xbf16>
    %convert_element_type3A_8 = arith.extf %convert_element_type3A_7 : vector<300x256xbf16> to vector<300x256xf32>
    %reduce_sum3A_9 = arith.constant dense<0.000000e+00> : vector<300xf32>
    %reduce_sum3A_10 = vector.multi_reduction <add>, %convert_element_type3A_8, %reduce_sum3A_9 [1] : vector<300x256xf32> to vector<300xf32>
    %get3A_11 = arith.constant 0 : index
    %get3A_12 = vector.load %arg4[%get3A_11] : memref<256xf32, #tpu.memory_space<vmem>>, vector<256xf32>
    %reduce_sum3A_13 = vector.shape_cast %get3A_12 : vector<256xf32> to vector<1x256xf32>
    %reduce_sum3A_14 = arith.constant dense<0.000000e+00> : vector<1xf32>
    %reduce_sum3A_15 = vector.multi_reduction <add>, %reduce_sum3A_13, %reduce_sum3A_14 [1] : vector<1x256xf32> to vector<1xf32>
    %reduce_sum3A_16 = vector.shape_cast %reduce_sum3A_15 : vector<1xf32> to vector<1x1xf32>
    %reduce_sum3A_17 = vector.extract %reduce_sum3A_16[0, 0] : f32 from vector<1x1xf32>
    %get3A_18 = arith.constant 0 : index
    %get3A_19 = vector.load %arg6[%get3A_18] : memref<256xf32, #tpu.memory_space<vmem>>, vector<256xf32>
    %reduce_sum3A_20 = vector.shape_cast %get3A_19 : vector<256xf32> to vector<1x256xf32>
    %reduce_sum3A_21 = arith.constant dense<0.000000e+00> : vector<1xf32>
    %reduce_sum3A_22 = vector.multi_reduction <add>, %reduce_sum3A_20, %reduce_sum3A_21 [1] : vector<1x256xf32> to vector<1xf32>
    %reduce_sum3A_23 = vector.shape_cast %reduce_sum3A_22 : vector<1xf32> to vector<1x1xf32>
    %reduce_sum3A_24 = vector.extract %reduce_sum3A_23[0, 0] : f32 from vector<1x1xf32>
    %add3A = arith.addf %reduce_sum3A_17, %reduce_sum3A_24 : f32
    %get3A_25 = arith.constant 0 : index
    %get3A_26 = arith.constant 0 : index
    %get3A_27 = vector.load %arg1[%get3A_25, %get3A_26] : memref<300x4096xf32, #tpu.memory_space<vmem>>, vector<300x4096xf32>
    %convert_element_type3A_28 = arith.truncf %get3A_27 : vector<300x4096xf32> to vector<300x4096xbf16>
    %convert_element_type3A_29 = arith.extf %convert_element_type3A_28 : vector<300x4096xbf16> to vector<300x4096xf32>
    %broadcast_in_dim3A = vector.shape_cast %reduce_sum3A_3 : vector<300xf32> to vector<300x1xf32>
    %mul3A = vector.broadcast %broadcast_in_dim3A : vector<300x1xf32> to vector<300x4096xf32>
    %mul3A_30 = arith.mulf %convert_element_type3A_29, %mul3A : vector<300x4096xf32>
    %reduce_sum3A_31 = arith.constant dense<0.000000e+00> : vector<4096xf32>
    %reduce_sum3A_32 = vector.multi_reduction <add>, %mul3A_30, %reduce_sum3A_31 [0] : vector<300x4096xf32> to vector<4096xf32>
    %get3A_33 = arith.constant 0 : index
    %get3A_34 = arith.constant 0 : index
    %get3A_35 = vector.load %arg2[%get3A_33, %get3A_34] : memref<300x4096xf32, #tpu.memory_space<vmem>>, vector<300x4096xf32>
    %convert_element_type3A_36 = arith.truncf %get3A_35 : vector<300x4096xf32> to vector<300x4096xbf16>
    %convert_element_type3A_37 = arith.extf %convert_element_type3A_36 : vector<300x4096xbf16> to vector<300x4096xf32>
    %broadcast_in_dim3A_38 = vector.shape_cast %reduce_sum3A_10 : vector<300xf32> to vector<300x1xf32>
    %mul3A_39 = vector.broadcast %broadcast_in_dim3A_38 : vector<300x1xf32> to vector<300x4096xf32>
    %mul3A_40 = arith.mulf %convert_element_type3A_37, %mul3A_39 : vector<300x4096xf32>
    %reduce_sum3A_41 = arith.constant dense<0.000000e+00> : vector<4096xf32>
    %reduce_sum3A_42 = vector.multi_reduction <add>, %mul3A_40, %reduce_sum3A_41 [0] : vector<300x4096xf32> to vector<4096xf32>
    %add3A_43 = arith.addf %reduce_sum3A_32, %reduce_sum3A_42 : vector<4096xf32>
    %add3A_44 = vector.broadcast %add3A : f32 to vector<4096xf32>
    %add3A_45 = arith.addf %add3A_43, %add3A_44 : vector<4096xf32>
    %swap3A = arith.constant 0 : index
    %swap3A_46 = vector.load %arg7[%swap3A] : memref<4096xf32, #tpu.memory_space<vmem>>, vector<4096xf32>
    tpu.vector_store %arg7[%swap3A], %add3A_45 {strides = array<i32>} : memref<4096xf32, #tpu.memory_space<vmem>>, vector<4096xf32>,
    return
  }
  func.func @transform_0(%arg0: i32) -> (i32, i32) {
    %c0_i32 = arith.constant 0 : i32
    %c0_i32_0 = arith.constant 0 : i32
    return %c0_i32, %arg0 : i32, i32
  }
  func.func @transform_1(%arg0: i32) -> (i32, i32) {
    %c0_i32 = arith.constant 0 : i32
    %c0_i32_0 = arith.constant 0 : i32
    return %c0_i32, %arg0 : i32, i32
  }
  func.func @transform_2(%arg0: i32) -> (i32, i32) {
    %c0_i32 = arith.constant 0 : i32
    %c0_i32_0 = arith.constant 0 : i32
    %c0_i32_1 = arith.constant 0 : i32
    return %c0_i32, %c0_i32_0 : i32, i32
  }
  func.func @transform_3(%arg0: i32) -> i32 {
    %c0_i32 = arith.constant 0 : i32
    %c0_i32_0 = arith.constant 0 : i32
    return %c0_i32 : i32
  }
  func.func @transform_4(%arg0: i32) -> (i32, i32) {
    %c0_i32 = arith.constant 0 : i32
    %c0_i32_0 = arith.constant 0 : i32
    %c0_i32_1 = arith.constant 0 : i32
    return %c0_i32, %c0_i32_0 : i32, i32
  }
  func.func @transform_5(%arg0: i32) -> i32 {
    %c0_i32 = arith.constant 0 : i32
    %c0_i32_0 = arith.constant 0 : i32
    return %c0_i32 : i32
  }
  func.func @transform_6(%arg0: i32) -> i32 {
    %c0_i32 = arith.constant 0 : i32
    return %arg0 : i32
  }
}

</mosaic_0001>

<sc_bundles>
// kernel: kernel.4.cloned.1.call-start
scs
__scs_entry_jumppad:
0x0: {  	(pc) =	sbr.rel $0x88, $3  }
0x1: {  	(tag) =	ssettag $0x0;
	lr =	simm.s32 $0x1  }
0x2: {  	[smem:$0x3F9A] =	sst lr;
	_ =	strace $0xD0000000  }
0x3: {  	_ = 	snop  }
0x4: {  	_ = 	snop  }
0x5: {  	_ = 	snop  }
0x6: {  	_ = 	snop  }
0x7: {  	_ = 	snop  }
__scs_overlays_trampoline_lowered:
0x8: {  	[smem:$0x3FA9] =	sst s0  }
0x9: {  	[smem:$0x3FAA] =	sst s1  }
0xa: {  	[smem:$0x3FAB] =	sst s2  }
0xb: {  	[smem:$0x3FAC] =	sst s3  }
0xc: {  	[smem:$0x3FAD] =	sst s4  }
0xd: {  	[smem:$0x3FAE] =	sst s5  }
0xe: {  	[smem:$0x3FAF] =	sst s6  }
0xf: {  	[smem:$0x3FB0] =	sst s7  }
0x10: {  	[smem:$0x3FB1] =	sst s8  }
0x11: {  	[smem:$0x3FB2] =	sst s9;
	s0 =	simm.s32 @!p0 $0x0  }
0x12: {  	s1 =	sld [smem:$0x3F98];
	s0 =	simm.s32 @p0 $0x1  }
0x13: {  	[smem:$0x3FB3] =	sst s0;
	s0 =	simm.s32 @!p1 $0x0  }
0x14: {  	s2 =	sld [smem:$0x3F97];
	s0 =	simm.s32 @p1 $0x1  }
0x15: {  	[smem:$0x3FB4] =	sst s0;
	s0 =	simm.s32 @!p2 $0x0  }
0x16: {  	s3 =	sld [smem:$0x3FDB];
	s0 =	simm.s32 @p2 $0x1  }
0x17: {  	s4 =	simm.s32 $0x1BF5;
	[smem:$0x3FB6] =	sst s0  }
0x18: {  	s0 =	sld [smem:$0x3F99];
	_ =	swait.ge [sflag:s4], $0x0  }
0x19: {  	s7 =	sld [smem:$0x3F9A]  }
0x1a: {  	s8 =	sadd.s32 $0xFFFFE003, lr  }
0x1b: {  	s9 =	sadd.s32 $0xFFFFFEF7, lr;
	s5 =	simm.s32 $0xFFFFFFFF;
	p2 =	slt.u32 s8, $0xFFFFF086  }
0x1c: {  	p1 =	slt.u32 s9, $0xF7A;
	s5 =	simm.s32 @!p2 $0x0  }
0x1d: {  	s5 =	simm.s32 @p1 $0x1;
	p0 =	seq.s32 s7, s2  }
0x1e: {  	s7 =	smul.u32 @!p0 $0xF7A, s2;
	p2 =	seq.s32 @!p0 s5, $0x0  }
0x1f: {  	s9 =	smul.u32 $0xF7A, s1;
	s8 =	simm.s32 @!p0 $0x1BF5;
	p2 =	por !p2, p0  }
0x20: {  	[sflag:s8] =	ssyncset.s32 @!p0 $0xFFFFF086;
	s6 =	sadd.s32 @!p0 s3, s7;
	s7 =	simm.s32 @!p0 $0x108  }
0x21: {  	s3 =	sadd.s32 s3, s9;
	s6 =	sadd.s32 @!p0 $0x88, s6;
	s7 =	simm.s32 @p2 $0x1082  }
0x22: {  	[simem:s7], [sflag:s8] =	dma.local @!p0 [hbm:s6], $0xF7A  }
0x23: {  	s9 =	sor.u32 $0xD0000000, s2;
	s6 =	simm.s32 $0x108;
	_ =	swait.ge @!p0 [sflag:s8], $0x0  }
0x24: {  	s3 =	sadd.s32 $0x88, s3;
	s6 =	simm.s32 @!p1 $0x1082;
	[sflag:s4] =	ssyncset.s32 $0xFFFFF086  }
0x25: {  	[simem:s6], [sflag:s4] =	dma.local [hbm:s3], $0xF7A  }
0x26: {  	[smem:$0x3F9A] =	sst s1;
	(tag) =	ssettag s2;
	_ =	strace s9  }
0x27: {  	s1 =	sld [smem:$0x3FAA]  }
0x28: {  	s2 =	sld [smem:$0x3FAB]  }
0x29: {  	s4 =	sld [smem:$0x3FAD]  }
0x2a: {  	p0 =	seq.s32 s5, $0x0;
	s5 =	sld [smem:$0x3FAE]  }
0x2b: {  	s6 =	sld [smem:$0x3FAF]  }
0x2c: {  	s7 =	sld [smem:$0x3FB0]  }
0x2d: {  	s3 =	simm.s32 $0x108;
	s8 =	sld [smem:$0x3FB1]  }
0x2e: {  	s3 =	simm.s32 @!p0 $0x1082;
	s9 =	sld [smem:$0x3FB2]  }
0x2f: {  	lr =	sadd.s32 s0, s3;
	s0 =	sld [smem:$0x3FA9]  }
0x30: {  	s3 =	sld [smem:$0x3FAC]  }
0x31: {  	[smem:$0x3FB5] =	sst s10  }
0x32: {  	s10 =	sld [smem:$0x3FB3];
	_ =	sdelay $0x3  }
0x33: {  	p0 =	seq.s32 s10, $0x1;
	s10 =	sld [smem:$0x3FB5];
	_ =	sdelay $0x3  }
0x34: {  	[smem:$0x3FB5] =	sst s10  }
0x35: {  	s10 =	sld [smem:$0x3FB4];
	_ =	sdelay $0x3  }
0x36: {  	p1 =	seq.s32 s10, $0x1;
	s10 =	sld [smem:$0x3FB5];
	_ =	sdelay $0x3  }
0x37: {  	[smem:$0x3FB5] =	sst s10  }
0x38: {  	s10 =	sld [smem:$0x3FB6]  }
0x39: {  	_ = 	snop;
	(pc) =	sbr.ind lr, $3  }
0x3a: {  	_ = 	snop  }
0x3b: {  	_ = 	snop  }
0x3c: {  	p2 =	seq.s32 s10, $0x1;
	s10 =	sld [smem:$0x3FB5]  }
0x3d: {  	_ =	shalt  }
0x3e: {  	_ =	shalt  }
0x3f: {  	_ =	shalt  }
0x40: {  	_ =	shalt  }
0x41: {  	_ =	shalt  }
0x42: {  	_ =	shalt  }
0x43: {  	_ =	shalt  }
0x44: {  	_ =	shalt  }
0x45: {  	_ =	shalt  }
0x46: {  	_ =	shalt  }
0x47: {  	_ =	shalt  }
0x48: {  	_ =	shalt  }
0x49: {  	_ =	shalt  }
0x4a: {  	_ =	shalt  }
0x4b: {  	_ =	shalt  }
0x4c: {  	_ =	shalt  }
0x4d: {  	_ =	shalt  }
0x4e: {  	_ =	shalt  }
0x4f: {  	_ =	shalt  }
0x50: {  	_ =	shalt  }
0x51: {  	_ =	shalt  }
0x52: {  	_ =	shalt  }
0x53: {  	_ =	shalt  }
0x54: {  	_ =	shalt  }
0x55: {  	_ =	shalt  }
0x56: {  	_ =	shalt  }
0x57: {  	_ =	shalt  }
0x58: {  	_ =	shalt  }
0x59: {  	_ =	shalt  }
0x5a: {  	_ =	shalt  }
0x5b: {  	_ =	shalt  }
0x5c: {  	_ =	shalt  }
0x5d: {  	_ =	shalt  }
0x5e: {  	_ =	shalt  }
0x5f: {  	_ =	shalt  }
0x60: {  	_ =	shalt  }
0x61: {  	_ =	shalt  }
0x62: {  	_ =	shalt  }
0x63: {  	_ =	shalt  }
0x64: {  	_ =	shalt  }
0x65: {  	_ =	shalt  }
0x66: {  	_ =	shalt  }
0x67: {  	_ =	shalt  }
0x68: {  	_ =	shalt  }
0x69: {  	_ =	shalt  }
0x6a: {  	_ =	shalt  }
0x6b: {  	_ =	shalt  }
0x6c: {  	_ =	shalt  }
0x6d: {  	_ =	shalt  }
0x6e: {  	_ =	shalt  }
0x6f: {  	_ =	shalt  }
0x70: {  	_ =	shalt  }
0x71: {  	_ =	shalt  }
0x72: {  	_ =	shalt  }
0x73: {  	_ =	shalt  }
0x74: {  	_ =	shalt  }
0x75: {  	_ =	shalt  }
0x76: {  	_ =	shalt  }
0x77: {  	_ =	shalt  }
0x78: {  	_ =	shalt  }
0x79: {  	_ =	shalt  }
0x7a: {  	_ =	shalt  }
0x7b: {  	_ =	shalt  }
0x7c: {  	_ =	shalt  }
0x7d: {  	_ =	shalt  }
0x7e: {  	_ =	shalt  }
0x7f: {  	_ =	shalt  }
0x80: {  	_ =	shalt  }
0x81: {  	_ =	shalt  }
0x82: {  	_ =	shalt  }
0x83: {  	_ =	shalt  }
0x84: {  	_ =	shalt  }
0x85: {  	_ =	shalt  }
0x86: {  	_ =	shalt  }
0x87: {  	_ =	shalt  }
.Lfunc_end0:
.L_simem_size_0:
called_computation_lowered:
.L_overlay_start_0:
0x88: {  	s2 =	sld [smem:$0x3FD9]  }
0x89: {  	s3 =	sld [smem:$0x3FFE];
	_ =	sdelay $0x1  }
0x8a: {  	s1 =	srdreg.scid  }
0x8b: {  	s0 =	sand.u32 $0x1, s1  }
0x8c: {  	s16 =	sshll.u32 s0, $0xA;
	s2 =	sadd.s32 s3, s2  }
0x8d: {  	s2 =	sadd.s32 s2, s16  }
0x8e: {  	[smem:$0x3FC1] =	sst s2  }
0x8f: {  	_ = 	snop  }
0x90: {  	(tm) =	ssettm $0x1  }
0x91: {  	s17 =	sld [smem:$0x3FFB];
	_ =	sdelay $0x3  }
0x92: {  	_ =	strace s17  }
0x93: {  	s2 =	sld [smem:$0x3FFC];
	_ =	sdelay $0x3  }
0x94: {  	_ =	strace s2  }
0x95: {  	s2 =	sld [smem:$0x3FFD];
	_ =	sdelay $0x3  }
0x96: {  	_ =	strace s2  }
0x97: {  	_ =	strace $0x8FFFFFFF  }
0x98: {  	s18 =	sld [smem:$0x3FDB];
	_ =	sdelay $0x1  }
0x99: {  	s19 =	simm.s32 $_scs_section_size  }
0x9a: {  	s4 =	simm.s32 $_size__tile_overlayer_lowered;
	s5 =	simm.s32 $_tile_overlayer_lowered  }
0x9b: {  	s22 =	simm.s32 $0x1BFF;
	s21 =	sshll.u32 s5, $0x1;
	s2 =	sadd.s32 s19, s18  }
0x9c: {  	s6 =	simm.s32 $0x0;
	s20 =	sshll.u32 s4, $0x1;
	s4 =	sadd.s32 s21, s2  }
0x9d: {  	[timem:s6], [sflag:s22] =	dma.local [hbm:s4], s20  }
0x9e: {  	_ =	swait.ge [sflag:s22], s20  }
0x9f: {  	s3 =	ssub.s32 $0x0, s20;
	[sflag:s22] =	ssyncset.done $0x0  }
0xa0: {  	[sflag:s22] =	ssyncadd.s32 s3;
	_ =	sdelay $0x1  }
0xa1: {  	s23 =	simm.s32 $0x1B8B  }
0xa2: {  	_ =	swait.ge [sflag:s23], $0x1  }
0xa3: {  	[sflag:s23] =	ssyncset.done $0x0  }
0xa4: {  	s25 =	simm.s32 $0x1B8E;
	s24 =	sld [smem:$0x3FFE];
	[sflag:s23] =	ssyncadd.s32 $0xFFFFFFFF  }
0xa5: {  	s26 =	simm.s32 $execute0_lowered;
	[smem:$0x3FD2] =	sst s25  }
0xa6: {  	s4 =	sshll.u32 s26, $0x1;
	_ =	strace $0x80000046;
	[dreg:$0x1] =	wrdreg $0xFFFFFFFF  }
0xa7: {  	s28 =	simm.s32 $_size_execute0_lowered;
	s2 =	sadd.s32 s2, s4;
	[dreg:$0x0] =	wrdreg $0x0  }
0xa8: {  	s4 =	sshll.u32 s28, $0x1;
	[dreg:$0x2] =	wrdreg s2  }
0xa9: {  	[dreg:$0x3] =	wrdreg s4  }
0xaa: {  	[dreg:$0x4] =	wrdreg $0xC0  }
0xab: {  	_ =	task [dreg:s6], $0x5FFFF  }
0xac: {  	[dreg:$0x1] =	wrdreg $0xFFFFFFFF  }
0xad: {  	[dreg:$0x0] =	wrdreg $0x60  }
0xae: {  	[dreg:$0x2] =	wrdreg s24  }
0xaf: {  	[dreg:$0x3] =	wrdreg $0x32800  }
0xb0: {  	[dreg:$0x4] =	wrdreg $0x9  }
0xb1: {  	_ =	task.clear_ibuf [dreg:s6], $0x5FFFF;
	_ =	strace $0x90000046  }
0xb2: {  	s29 =	simm.s32 $0x9;
	_ =	strace $0x80000048  }
0xb3: {  	_ =	swait.ge [sflag:s29], $0x1  }
0xb4: {  	[sflag:s29] =	ssyncadd.s32 $0xFFFFFFFF  }
0xb5: {  	_ =	strace $0x90000048  }
0xb6: {  	_ =	sfence  }
0xb7: {  	s30 =	sld [smem:$0x0];
	_ =	sdelay $0x2  }
0xb8: {  	s31 =	sshll.u32 s1, $0xD;
	s1 =	sshrl.u32 s1, $0x2  }
0xb9: {  	s3 =	sand.u32 $0x4000, s31;
	s1 =	sadd.s32 s1, s30  }
0xba: {  	s0 =	sor.u32 s3, s0;
	s1 =	sshll.u32 s1, $0x11  }
0xbb: {  	s0 =	sor.u32 s1, s0  }
0xbc: {  	s0 =	sadd.s32 $0x8F2B, s0  }
0xbd: {  	[sflag:s0] =	ssyncadd.remote.s32 $0x1  }
0xbe: {  	_ =	sfence.sel $0xFFFF  }
0xbf: {  	[dreg:$0x0] =	wrdreg $0xFFFFFFFF;
	(pc) =	sbr.abs _section_cstart, $3  }
0xc0: {  	[dreg:$0x1] =	wrdreg $0xFFFFFFFF  }
0xc1: {  	_ =	task.clear_ibuf [dreg:s6], $0x2FFFF;
	_ =	strace $0x9FFFFFFF  }
0xc2: {  	(tm) =	ssettm $0x7FFFFFFF  }
0xc3: {  	_ =	shalt  }
tec
execute0_lowered:
.L_overlay_start_1:
0x0: {  	(tag) =	ssettag $0x1  }
0x1: {  	s0 =	srdreg.scid;
	s4 =	rddreg [dreg:$0x0]  }
0x2: {  	s7 =	stileid.u32;
	s1 =	rddreg [dreg:$0x1];
	s2 =	simm.s32 $0x0  }
0x3: {  	s10 =	simm.s32 $0x1;
	s11 =	simm.s32 $0x3200;
	s12 =	simm.s32 $0x0  }
0x4: {  	s3 =	sand.u32 $0x1, s0;
	s31 =	sshll.u32 s7, $0x1;
	s0 =	rddreg [dreg:$0x2]  }
0x5: {  	[smem:$0x7FF] =	sst s2;
	p0 =	sne.s32 s7, $0x0;
	s7 =	simm.s32 $0x2  }
0x6: {  	s5 =	sor.u32 s3, s31;
	_ =	strace $0x80000047;
	s8 =	ssub.s32 $0x2, s3  }
0x7: {  	s6 =	smul.u32 $0x320, s5;
	s5 =	sshll.u32 s5, $0x4;
	s9 =	sshrl.u32 s8, $0x1  }
0x8: {  	s3 =	sadd.s32 $0x6E00, s4;
	s5 =	sadd.s32 s5, s4;
	s8 =	ssub.s32 s8, s9  }
0x9: {  	s9 =	simm.s32 $0x1900;
	s6 =	sadd.s32 s6, s4;
	s5 =	sadd.s32 $0xA000, s5  }
0xa: {  	s4 =	sadd.s32 $0xA00, s6;
	s6 =	smax.u32 s8, $0x1;
	s8 =	sshrl.u32 @!p0 s1, $0x3  }
.LBB2_1:
0xb: {  	[tilespmem:s2], [sflag:$0x2] =	stream.linear.gather [hbm4b:s4+s2], $0x1900, $0x38;
	[tilespmem:$0x4B80] =	vst v63  }
0xc: {  	_ =	swait.ge [sflag:s7], $0x1900  }
0xd: {  	[sflag:s7] =	ssyncset.done $0x0  }
0xe: {  	s13 =	simm.s32 @!p0 $0x1C02;
	[sflag:s7] =	ssyncadd.s32 $0xFFFFE700  }
0xf: {  	[spmem:s8], [sflag:s13] =	dma.local @!p0 [hbm:s3], $0x3200  }
0x10: {  	s13 =	simm.s32 @!p0 $0x2  }
0x11: {  	_ =	swait.ge @!p0 [sflag:s13], $0x3200  }
0x12: {  	[sflag:s13] =	ssyncset.done @!p0 $0x0  }
0x13: {  	[sflag:s13] =	ssyncadd.s32 @!p0 $0xFFFFCE00  }
0x14: {  	[bflag:$0x0] =	sbarrier.arrive $0xFFFF  }
0x15: {  	[tilespmem:s9], [sflag:$0x1] =	stream.indirect.gather [spmem:s1], $0x1, s2, s9, $0xb8;
	[tilespmem:$0x4B80] =	vst v63  }
0x16: {  	_ =	swait.ge [sflag:s10], $0x1900  }
0x17: {  	[sflag:s10] =	ssyncset.done $0x0  }
0x18: {  	s14 =	simm.s32 $0x0;
	[sflag:s10] =	ssyncadd.s32 $0xFFFFE700  }
0x19: {  	v0 =	vimm.f32 $0.0e+00;
	s13 =	simm.s32 $0x40;
	v1 =	vld [tilespmem:s14+$0x1900]  }
.LBB2_2:
0x1a: {  	p1 =	sne.s32 s13, $0x63C0  }
.Ltmp0:
0x1b: {  	_ = 	snop;
	(pc) =	sbr.rel @p1 .LBB2_2-.Ltmp0, $3  }
0x1c: {  	_ =	sdelay $0x1  }
0x1d: {  	s14 =	sshra.s32 s13, $0x2;
	s13 =	sadd.s32 $0x40, s13;
	v0 =	vadd.f32 v1, v0  }
0x1e: {  	v1 =	vld [tilespmem:s14+$0x1900]  }
0x1f: {  	_ =	sdelay $0x3  }
0x20: {  	s12 =	sadd.s32 $0x1, s12;
	v0 =	vadd.f32 v1, v0  }
0x21: {  	p1 =	sne.s32 s12, s6  }
.Ltmp1:
0x22: {  	[tilespmem:$0x3200] =	vst v0;
	(pc) =	sbr.rel @p1 .LBB2_1-.Ltmp1, $4  }
0x23: {  	[hbm4b:s5+s2] =	stream.linear.scatter [tilespmem:s11], [sflag:$0x2], $0x80, $0x38;
	[tilespmem:$0x4B80] =	vst v63  }
0x24: {  	_ =	swait.ge [sflag:s7], $0x80  }
0x25: {  	[sflag:s7] =	ssyncset.done $0x0  }
0x26: {  	[sflag:s7] =	ssyncadd.s32 $0xFFFFFF80  }
0x27: {  	_ =	sfence.sel $0x180000  }
0x28: {  	[bflag:$0x0] =	sbarrier.arrive $0xFFFF  }
0x29: {  	_ =	strace $0x90000047  }
0x2a: {  	s0 =	sadd.s32 @!p0 $0x100000, s0;
	[bflag:$0x2] =	sbarrier.arrive $0xFFFF  }
0x2b: {  	[sflag:s0] =	ssyncadd.tile.s32 @!p0 $0x1;
	_ =	shalt  }
.Lfunc_end2:
_tile_overlayer_lowered:
.L_overlay_start_2:
0x2c: {  	(tag) =	ssettag $0x2  }
0x2d: {  	s0 =	rddreg [dreg:$0x0];
	s2 =	stileid.u32  }
0x2e: {  	s1 =	rddreg [dreg:$0x1];
	p0 =	sne.s32 s2, $0x0  }
0x2f: {  	s3 =	rddreg [dreg:$0x2];
	[bflag:$0x3] =	sbarrier.arrive $0xFFFF;
	s2 =	simm.s32 @!p0 $0x1C02  }
0x30: {  	[timem:s3], [sflag:s2] =	dma.local @!p0 [hbm:s0], s1  }
0x31: {  	s0 =	simm.s32 @!p0 $0x2  }
0x32: {  	_ =	swait.ge @!p0 [sflag:s0], s1  }
0x33: {  	s1 =	ssub.s32 @!p0 $0x0, s1;
	[sflag:s0] =	ssyncset.done @!p0 $0x0  }
0x34: {  	[sflag:s0] =	ssyncadd.s32 @!p0 s1  }
0x35: {  	[bflag:$0x3] =	sbarrier.arrive $0xFFFF  }
0x36: {  	_ =	shalt  }

</sc_bundles>
